<compile_context>
chip_gen: v7x
topology: tpu7x:2x2x1
jax: 0.10.2.dev20260603
libtpu: 0.0.44.dev20260713+nightly
codegen_flags: <defaults>
</compile_context>

<pallas_src>
import jax, jax.numpy as jnp
from jax import lax
from jax.experimental import pallas as pl
from jax.experimental.pallas import tpu as pltpu
from jax.experimental.pallas import tpu_sc as plsc

TOTAL, D, B = 32768, 512, 16
SBLK = 512
ROUNDS = 24
NS = 16

def _body(vals, out_hbm, shared0, shared1, tbuf, sem0, sem1):
    sid = lax.axis_index("s")
    shs = (shared0, shared1)
    sems = (sem0, sem1)

    def copy(r, slot):
        return pltpu.make_async_copy(
            vals.at[pl.ds(r * SBLK, SBLK)], shs[slot], sems[slot])

    @pl.when(sid == 0)
    def _():
        copy(0, 0).start()

        def rbody(j, carry):
            for phase in range(2):
                r = 2 * j + phase
                slot = phase
                copy(r, slot).wait()

                @pl.when(r + 1 < ROUNDS)
                def _():
                    copy(r + 1, 1 - slot).start()
            return carry

        lax.fori_loop(0, ROUNDS // 2, rbody, 0)
    pltpu.sync_copy(shs[0].at[pl.ds(0, 1)], tbuf)
    pltpu.sync_copy(tbuf, out_hbm.at[pl.ds(0, 1)])

_probe = pl.kernel(
    _body,
    out_type=jax.ShapeDtypeStruct((16, D), jnp.float32),
    mesh=plsc.VectorSubcoreMesh(core_axis_name="c", subcore_axis_name="s",
                                num_cores=1),
    scratch_types=[
        pltpu.VMEM_SHARED((SBLK, D), jnp.float32),
        pltpu.VMEM_SHARED((SBLK, D), jnp.float32),
        pltpu.VMEM((1, D), jnp.float32),
        pltpu.SemaphoreType.DMA,
        pltpu.SemaphoreType.DMA,
    ],
)

def kernel(values, prefix_sum):
    return _probe(values)

# --- scband reference (transcript-rebuilt; emitter-appended) ---
"""Pipeline reference for scband-jagged-max-module-39762807226830 (READ-ONLY COPY).

The authoritative reference and input builder live on the scoring server;
editing this copy changes nothing except your own understanding.
"""

import jax, jax.numpy as jnp
import numpy as np


def setup_inputs(seed: int = 0) -> dict:
    key = jax.random.key(seed)
    k1, k2 = jax.random.split(key)
    total, d, B = 32768, 512, 16
    values = jax.random.normal(k1, (total, d), dtype=jnp.float32)
    inner = jnp.sort(jax.random.randint(k2, (B - 1,), 0, total)).astype(jnp.int32)
    prefix_sum = jnp.concatenate([
        jnp.array([0], dtype=jnp.int32),
        inner,
        jnp.array([total], dtype=jnp.int32),
    ])
    return {"values": values, "prefix_sum": prefix_sum}


def reference(values, prefix_sum):
    # JaggedMax: per-segment max over a jagged tensor defined by prefix_sum
    # (cu_seqlens). Segment i = values[prefix_sum[i]:prefix_sum[i+1]].
    total = values.shape[0]
    B = prefix_sum.shape[0] - 1
    token_idx = jnp.arange(total)
    # segment id of each token: number of boundaries <= t, minus 1
    seg_ids = jnp.searchsorted(prefix_sum, token_idx, side="right") - 1
    valid = (token_idx >= prefix_sum[0]) & (token_idx < prefix_sum[-1])
    seg_ids = jnp.clip(seg_ids, 0, B - 1)
    neg_inf = jnp.full_like(values, -jnp.inf)
    masked = jnp.where(valid[:, None], values, neg_inf)
    out = jax.ops.segment_max(masked, seg_ids, num_segments=B)
    return out

if __name__ == "__main__":
    import jax
    _d = setup_inputs()
    print(jax.jit(kernel)(*tuple(_d.values())))

</pallas_src>

<mosaic_0001>
#map = affine_map<(d0, d1) -> (0, 0)>
module attributes {stable_mosaic.version = 14 : i64} {
  func.func @_body(%arg0: i32, %arg1: i32, %arg2: memref<32768x512xf32, #tpu.memory_space<hbm>>, %arg3: memref<16x512xf32, #tpu.memory_space<hbm>>, %arg4: memref<512x512xf32, #tpu.memory_space<vmem_shared>>, %arg5: memref<512x512xf32, #tpu.memory_space<vmem_shared>>, %arg6: memref<1x512xf32, #tpu.memory_space<vmem>>, %arg7: memref<!tpu.dma_semaphore, #tpu.memory_space<semaphore_mem>>, %arg8: memref<!tpu.dma_semaphore, #tpu.memory_space<semaphore_mem>>) attributes {dimension_semantics = [#tpu.dimension_semantics<core_parallel>, #tpu.dimension_semantics<subcore_parallel>], iteration_bounds = array<i64: 1, 16>, scalar_prefetch = 0 : i64, scratch_operands = 5 : i64, tpu.core_type = #tpu.core_type<sc_vector_subcore>, window_params = [{transform_indices = #map}, {transform_indices = #map}]} {
    %eq3A = arith.constant 0 : i32
    %eq3A_0 = arith.cmpi eq, %arg1, %eq3A : i32
    %convert_element_type3A = arith.extui %eq3A_0 : i1 to i32
    %cond3A = arith.constant 0 : i32
    %cond3A_1 = arith.cmpi ne, %convert_element_type3A, %cond3A : i32
    scf.if %cond3A_1 {
      %dma_start3A = arith.constant 0 : i32
      %dma_start3A_2 = arith.constant 0 : i32
      %dma_start3A_3 = tpu.memref_slice %arg2[%dma_start3A, %dma_start3A_2] : memref<32768x512xf32, #tpu.memory_space<hbm>> -> memref<512x512xf32, #tpu.memory_space<hbm>>
      tpu.enqueue_dma source(%dma_start3A_3 : memref<512x512xf32, #tpu.memory_space<hbm>>) target(%arg4 : memref<512x512xf32, #tpu.memory_space<vmem_shared>>) target_semaphore(%arg7 : memref<!tpu.dma_semaphore, #tpu.memory_space<semaphore_mem>>)
      %scan3A = arith.constant 0 : i32
      %scan3A_4 = arith.constant 0 : i32
      %scan3A_5 = arith.constant 12 : i32
      %scan3A_6 = arith.addi %scan3A_4, %scan3A_5 : i32
      %scan3A_7 = arith.constant 1 : i32
      scf.for %scan3A_9 = %scan3A_4 to %scan3A_6 step %scan3A_7  : i32 {
        %mul3A = arith.constant 2 : i32
        %mul3A_10 = arith.muli %mul3A, %scan3A_9 : i32
        %add3A = arith.constant 0 : i32
        %add3A_11 = arith.addi %mul3A_10, %add3A : i32
        %mul3A_12 = arith.constant 512 : i32
        %mul3A_13 = arith.muli %add3A_11, %mul3A_12 : i32
        %dma_wait3A = arith.constant 0 : i32
        %dma_wait3A_14 = tpu.memref_slice %arg2[%mul3A_13, %dma_wait3A] : memref<32768x512xf32, #tpu.memory_space<hbm>> -> memref<512x512xf32, #tpu.memory_space<hbm>>
        tpu.wait_dma2 semaphore(%arg7 : memref<!tpu.dma_semaphore, #tpu.memory_space<semaphore_mem>>) src(%dma_wait3A_14 : memref<512x512xf32, #tpu.memory_space<hbm>>) dst(%arg4 : memref<512x512xf32, #tpu.memory_space<vmem_shared>>)
        %add3A_15 = arith.constant 1 : i32
        %add3A_16 = arith.addi %add3A_11, %add3A_15 : i32
        %lt3A = arith.constant 24 : i32
        %lt3A_17 = arith.cmpi slt, %add3A_16, %lt3A : i32
        %convert_element_type3A_18 = arith.extui %lt3A_17 : i1 to i32
        %cond3A_19 = arith.constant 0 : i32
        %cond3A_20 = arith.cmpi ne, %convert_element_type3A_18, %cond3A_19 : i32
        scf.if %cond3A_20 {
          %add3A_36 = arith.constant 1 : i32
          %add3A_37 = arith.addi %add3A_11, %add3A_36 : i32
          %mul3A_38 = arith.constant 512 : i32
          %mul3A_39 = arith.muli %add3A_37, %mul3A_38 : i32
          %dma_start3A_40 = arith.constant 0 : i32
          %dma_start3A_41 = tpu.memref_slice %arg2[%mul3A_39, %dma_start3A_40] : memref<32768x512xf32, #tpu.memory_space<hbm>> -> memref<512x512xf32, #tpu.memory_space<hbm>>
          tpu.enqueue_dma source(%dma_start3A_41 : memref<512x512xf32, #tpu.memory_space<hbm>>) target(%arg5 : memref<512x512xf32, #tpu.memory_space<vmem_shared>>) target_semaphore(%arg8 : memref<!tpu.dma_semaphore, #tpu.memory_space<semaphore_mem>>)
        } else {
        }
        %mul3A_21 = arith.constant 2 : i32
        %mul3A_22 = arith.muli %mul3A_21, %scan3A_9 : i32
        %add3A_23 = arith.constant 1 : i32
        %add3A_24 = arith.addi %mul3A_22, %add3A_23 : i32
        %mul3A_25 = arith.constant 512 : i32
        %mul3A_26 = arith.muli %add3A_24, %mul3A_25 : i32
        %dma_wait3A_27 = arith.constant 0 : i32
        %dma_wait3A_28 = tpu.memref_slice %arg2[%mul3A_26, %dma_wait3A_27] : memref<32768x512xf32, #tpu.memory_space<hbm>> -> memref<512x512xf32, #tpu.memory_space<hbm>>
        tpu.wait_dma2 semaphore(%arg8 : memref<!tpu.dma_semaphore, #tpu.memory_space<semaphore_mem>>) src(%dma_wait3A_28 : memref<512x512xf32, #tpu.memory_space<hbm>>) dst(%arg5 : memref<512x512xf32, #tpu.memory_space<vmem_shared>>)
        %add3A_29 = arith.constant 1 : i32
        %add3A_30 = arith.addi %add3A_24, %add3A_29 : i32
        %lt3A_31 = arith.constant 24 : i32
        %lt3A_32 = arith.cmpi slt, %add3A_30, %lt3A_31 : i32
        %convert_element_type3A_33 = arith.extui %lt3A_32 : i1 to i32
        %cond3A_34 = arith.constant 0 : i32
        %cond3A_35 = arith.cmpi ne, %convert_element_type3A_33, %cond3A_34 : i32
        scf.if %cond3A_35 {
          %add3A_36 = arith.constant 1 : i32
          %add3A_37 = arith.addi %add3A_24, %add3A_36 : i32
          %mul3A_38 = arith.constant 512 : i32
          %mul3A_39 = arith.muli %add3A_37, %mul3A_38 : i32
          %dma_start3A_40 = arith.constant 0 : i32
          %dma_start3A_41 = tpu.memref_slice %arg2[%mul3A_39, %dma_start3A_40] : memref<32768x512xf32, #tpu.memory_space<hbm>> -> memref<512x512xf32, #tpu.memory_space<hbm>>
          tpu.enqueue_dma source(%dma_start3A_41 : memref<512x512xf32, #tpu.memory_space<hbm>>) target(%arg4 : memref<512x512xf32, #tpu.memory_space<vmem_shared>>) target_semaphore(%arg7 : memref<!tpu.dma_semaphore, #tpu.memory_space<semaphore_mem>>)
        } else {
        }
      }
      %scan3A_8 = arith.constant 12 : i32
    } else {
    }
    "tpu.region"() ({
      %run_scoped3A = tpu.sem_alloc : memref<!tpu.dma_semaphore, #tpu.memory_space<semaphore_mem>>
      %dma_start3A = arith.constant 0 : i32
      %dma_start3A_2 = arith.constant 0 : i32
      %dma_start3A_3 = tpu.memref_slice %arg4[%dma_start3A, %dma_start3A_2] : memref<512x512xf32, #tpu.memory_space<vmem_shared>> -> memref<1x512xf32, #tpu.memory_space<vmem_shared>>
      %dma_start3A_4 = arith.constant 0 : i32
      %dma_start3A_5 = arith.constant 0 : i32
      %dma_start3A_6 = tpu.memref_slice %arg4[%dma_start3A_4, %dma_start3A_5] : memref<512x512xf32, #tpu.memory_space<vmem_shared>> -> memref<1x512xf32, #tpu.memory_space<vmem_shared>>
      tpu.enqueue_dma source(%dma_start3A_6 : memref<1x512xf32, #tpu.memory_space<vmem_shared>>) target(%arg6 : memref<1x512xf32, #tpu.memory_space<vmem>>) target_semaphore(%run_scoped3A : memref<!tpu.dma_semaphore, #tpu.memory_space<semaphore_mem>>)
      %dma_wait3A = arith.constant 0 : i32
      %dma_wait3A_7 = arith.constant 0 : i32
      %dma_wait3A_8 = tpu.memref_slice %arg4[%dma_wait3A, %dma_wait3A_7] : memref<512x512xf32, #tpu.memory_space<vmem_shared>> -> memref<1x512xf32, #tpu.memory_space<vmem_shared>>
      %dma_wait3A_9 = arith.constant 0 : i32
      %dma_wait3A_10 = arith.constant 0 : i32
      %dma_wait3A_11 = tpu.memref_slice %arg4[%dma_wait3A_9, %dma_wait3A_10] : memref<512x512xf32, #tpu.memory_space<vmem_shared>> -> memref<1x512xf32, #tpu.memory_space<vmem_shared>>
      tpu.wait_dma2 semaphore(%run_scoped3A : memref<!tpu.dma_semaphore, #tpu.memory_space<semaphore_mem>>) src(%dma_wait3A_11 : memref<1x512xf32, #tpu.memory_space<vmem_shared>>) dst(%arg6 : memref<1x512xf32, #tpu.memory_space<vmem>>)
      tpu.yield
    }) : () -> ()
    "tpu.region"() ({
      %run_scoped3A = tpu.sem_alloc : memref<!tpu.dma_semaphore, #tpu.memory_space<semaphore_mem>>
      %dma_start3A = arith.constant 0 : i32
      %dma_start3A_2 = arith.constant 0 : i32
      %dma_start3A_3 = tpu.memref_slice %arg3[%dma_start3A, %dma_start3A_2] : memref<16x512xf32, #tpu.memory_space<hbm>> -> memref<1x512xf32, #tpu.memory_space<hbm>>
      %dma_start3A_4 = arith.constant 0 : i32
      %dma_start3A_5 = arith.constant 0 : i32
      %dma_start3A_6 = tpu.memref_slice %arg3[%dma_start3A_4, %dma_start3A_5] : memref<16x512xf32, #tpu.memory_space<hbm>> -> memref<1x512xf32, #tpu.memory_space<hbm>>
      tpu.enqueue_dma source(%arg6 : memref<1x512xf32, #tpu.memory_space<vmem>>) target(%dma_start3A_6 : memref<1x512xf32, #tpu.memory_space<hbm>>) target_semaphore(%run_scoped3A : memref<!tpu.dma_semaphore, #tpu.memory_space<semaphore_mem>>)
      %dma_wait3A = arith.constant 0 : i32
      %dma_wait3A_7 = arith.constant 0 : i32
      %dma_wait3A_8 = tpu.memref_slice %arg3[%dma_wait3A, %dma_wait3A_7] : memref<16x512xf32, #tpu.memory_space<hbm>> -> memref<1x512xf32, #tpu.memory_space<hbm>>
      %dma_wait3A_9 = arith.constant 0 : i32
      %dma_wait3A_10 = arith.constant 0 : i32
      %dma_wait3A_11 = tpu.memref_slice %arg3[%dma_wait3A_9, %dma_wait3A_10] : memref<16x512xf32, #tpu.memory_space<hbm>> -> memref<1x512xf32, #tpu.memory_space<hbm>>
      tpu.wait_dma2 semaphore(%run_scoped3A : memref<!tpu.dma_semaphore, #tpu.memory_space<semaphore_mem>>) src(%arg6 : memref<1x512xf32, #tpu.memory_space<vmem>>) dst(%dma_wait3A_11 : memref<1x512xf32, #tpu.memory_space<hbm>>)
      tpu.yield
    }) : () -> ()
    return
  }
}

</mosaic_0001>

<sc_bundles>
// kernel: kernel.3.cloned.1.call-start
scs
__scs_entry_jumppad:
0x0: {  	(pc) =	sbr.rel $0x88, $3  }
0x1: {  	(tag) =	ssettag $0x0;
	lr =	simm.s32 $0x1  }
0x2: {  	[smem:$0x3FA0] =	sst lr;
	_ =	strace $0xD0000000  }
0x3: {  	_ = 	snop  }
0x4: {  	_ = 	snop  }
0x5: {  	_ = 	snop  }
0x6: {  	_ = 	snop  }
0x7: {  	_ = 	snop  }
__scs_overlays_trampoline_lowered:
0x8: {  	[smem:$0x3FAF] =	sst s0  }
0x9: {  	[smem:$0x3FB0] =	sst s1  }
0xa: {  	[smem:$0x3FB1] =	sst s2  }
0xb: {  	[smem:$0x3FB2] =	sst s3  }
0xc: {  	[smem:$0x3FB3] =	sst s4  }
0xd: {  	[smem:$0x3FB4] =	sst s5  }
0xe: {  	[smem:$0x3FB5] =	sst s6  }
0xf: {  	[smem:$0x3FB6] =	sst s7  }
0x10: {  	[smem:$0x3FB7] =	sst s8  }
0x11: {  	[smem:$0x3FB8] =	sst s9;
	s0 =	simm.s32 @!p0 $0x0  }
0x12: {  	s1 =	sld [smem:$0x3F9E];
	s0 =	simm.s32 @p0 $0x1  }
0x13: {  	[smem:$0x3FB9] =	sst s0;
	s0 =	simm.s32 @!p1 $0x0  }
0x14: {  	s2 =	sld [smem:$0x3F9D];
	s0 =	simm.s32 @p1 $0x1  }
0x15: {  	[smem:$0x3FBA] =	sst s0;
	s0 =	simm.s32 @!p2 $0x0  }
0x16: {  	s3 =	sld [smem:$0x3FDB];
	s0 =	simm.s32 @p2 $0x1  }
0x17: {  	s4 =	simm.s32 $0x1BF5;
	[smem:$0x3FBC] =	sst s0  }
0x18: {  	s0 =	sld [smem:$0x3F9F];
	_ =	swait.ge [sflag:s4], $0x0  }
0x19: {  	s7 =	sld [smem:$0x3FA0]  }
0x1a: {  	s8 =	sadd.s32 $0xFFFFE003, lr  }
0x1b: {  	s9 =	sadd.s32 $0xFFFFFEF7, lr;
	s5 =	simm.s32 $0xFFFFFFFF;
	p2 =	slt.u32 s8, $0xFFFFF086  }
0x1c: {  	p1 =	slt.u32 s9, $0xF7A;
	s5 =	simm.s32 @!p2 $0x0  }
0x1d: {  	s5 =	simm.s32 @p1 $0x1;
	p0 =	seq.s32 s7, s2  }
0x1e: {  	s7 =	smul.u32 @!p0 $0xF7A, s2;
	p2 =	seq.s32 @!p0 s5, $0x0  }
0x1f: {  	s9 =	smul.u32 $0xF7A, s1;
	s8 =	simm.s32 @!p0 $0x1BF5;
	p2 =	por !p2, p0  }
0x20: {  	[sflag:s8] =	ssyncset.s32 @!p0 $0xFFFFF086;
	s6 =	sadd.s32 @!p0 s3, s7;
	s7 =	simm.s32 @!p0 $0x108  }
0x21: {  	s3 =	sadd.s32 s3, s9;
	s6 =	sadd.s32 @!p0 $0x88, s6;
	s7 =	simm.s32 @p2 $0x1082  }
0x22: {  	[simem:s7], [sflag:s8] =	dma.local @!p0 [hbm:s6], $0xF7A  }
0x23: {  	s9 =	sor.u32 $0xD0000000, s2;
	s6 =	simm.s32 $0x108;
	_ =	swait.ge @!p0 [sflag:s8], $0x0  }
0x24: {  	s3 =	sadd.s32 $0x88, s3;
	s6 =	simm.s32 @!p1 $0x1082;
	[sflag:s4] =	ssyncset.s32 $0xFFFFF086  }
0x25: {  	[simem:s6], [sflag:s4] =	dma.local [hbm:s3], $0xF7A  }
0x26: {  	[smem:$0x3FA0] =	sst s1;
	(tag) =	ssettag s2;
	_ =	strace s9  }
0x27: {  	s1 =	sld [smem:$0x3FB0]  }
0x28: {  	s2 =	sld [smem:$0x3FB1]  }
0x29: {  	s4 =	sld [smem:$0x3FB3]  }
0x2a: {  	p0 =	seq.s32 s5, $0x0;
	s5 =	sld [smem:$0x3FB4]  }
0x2b: {  	s6 =	sld [smem:$0x3FB5]  }
0x2c: {  	s7 =	sld [smem:$0x3FB6]  }
0x2d: {  	s3 =	simm.s32 $0x108;
	s8 =	sld [smem:$0x3FB7]  }
0x2e: {  	s3 =	simm.s32 @!p0 $0x1082;
	s9 =	sld [smem:$0x3FB8]  }
0x2f: {  	lr =	sadd.s32 s0, s3;
	s0 =	sld [smem:$0x3FAF]  }
0x30: {  	s3 =	sld [smem:$0x3FB2]  }
0x31: {  	[smem:$0x3FBB] =	sst s10  }
0x32: {  	s10 =	sld [smem:$0x3FB9];
	_ =	sdelay $0x3  }
0x33: {  	p0 =	seq.s32 s10, $0x1;
	s10 =	sld [smem:$0x3FBB];
	_ =	sdelay $0x3  }
0x34: {  	[smem:$0x3FBB] =	sst s10  }
0x35: {  	s10 =	sld [smem:$0x3FBA];
	_ =	sdelay $0x3  }
0x36: {  	p1 =	seq.s32 s10, $0x1;
	s10 =	sld [smem:$0x3FBB];
	_ =	sdelay $0x3  }
0x37: {  	[smem:$0x3FBB] =	sst s10  }
0x38: {  	s10 =	sld [smem:$0x3FBC]  }
0x39: {  	_ = 	snop;
	(pc) =	sbr.ind lr, $3  }
0x3a: {  	_ = 	snop  }
0x3b: {  	_ = 	snop  }
0x3c: {  	p2 =	seq.s32 s10, $0x1;
	s10 =	sld [smem:$0x3FBB]  }
0x3d: {  	_ =	shalt  }
0x3e: {  	_ =	shalt  }
0x3f: {  	_ =	shalt  }
0x40: {  	_ =	shalt  }
0x41: {  	_ =	shalt  }
0x42: {  	_ =	shalt  }
0x43: {  	_ =	shalt  }
0x44: {  	_ =	shalt  }
0x45: {  	_ =	shalt  }
0x46: {  	_ =	shalt  }
0x47: {  	_ =	shalt  }
0x48: {  	_ =	shalt  }
0x49: {  	_ =	shalt  }
0x4a: {  	_ =	shalt  }
0x4b: {  	_ =	shalt  }
0x4c: {  	_ =	shalt  }
0x4d: {  	_ =	shalt  }
0x4e: {  	_ =	shalt  }
0x4f: {  	_ =	shalt  }
0x50: {  	_ =	shalt  }
0x51: {  	_ =	shalt  }
0x52: {  	_ =	shalt  }
0x53: {  	_ =	shalt  }
0x54: {  	_ =	shalt  }
0x55: {  	_ =	shalt  }
0x56: {  	_ =	shalt  }
0x57: {  	_ =	shalt  }
0x58: {  	_ =	shalt  }
0x59: {  	_ =	shalt  }
0x5a: {  	_ =	shalt  }
0x5b: {  	_ =	shalt  }
0x5c: {  	_ =	shalt  }
0x5d: {  	_ =	shalt  }
0x5e: {  	_ =	shalt  }
0x5f: {  	_ =	shalt  }
0x60: {  	_ =	shalt  }
0x61: {  	_ =	shalt  }
0x62: {  	_ =	shalt  }
0x63: {  	_ =	shalt  }
0x64: {  	_ =	shalt  }
0x65: {  	_ =	shalt  }
0x66: {  	_ =	shalt  }
0x67: {  	_ =	shalt  }
0x68: {  	_ =	shalt  }
0x69: {  	_ =	shalt  }
0x6a: {  	_ =	shalt  }
0x6b: {  	_ =	shalt  }
0x6c: {  	_ =	shalt  }
0x6d: {  	_ =	shalt  }
0x6e: {  	_ =	shalt  }
0x6f: {  	_ =	shalt  }
0x70: {  	_ =	shalt  }
0x71: {  	_ =	shalt  }
0x72: {  	_ =	shalt  }
0x73: {  	_ =	shalt  }
0x74: {  	_ =	shalt  }
0x75: {  	_ =	shalt  }
0x76: {  	_ =	shalt  }
0x77: {  	_ =	shalt  }
0x78: {  	_ =	shalt  }
0x79: {  	_ =	shalt  }
0x7a: {  	_ =	shalt  }
0x7b: {  	_ =	shalt  }
0x7c: {  	_ =	shalt  }
0x7d: {  	_ =	shalt  }
0x7e: {  	_ =	shalt  }
0x7f: {  	_ =	shalt  }
0x80: {  	_ =	shalt  }
0x81: {  	_ =	shalt  }
0x82: {  	_ =	shalt  }
0x83: {  	_ =	shalt  }
0x84: {  	_ =	shalt  }
0x85: {  	_ =	shalt  }
0x86: {  	_ =	shalt  }
0x87: {  	_ =	shalt  }
.Lfunc_end0:
.L_simem_size_0:
called_computation_lowered:
.L_overlay_start_0:
0x88: {  	s0 =	sld [smem:$0x3FD9]  }
0x89: {  	s1 =	sld [smem:$0x3FFE];
	_ =	sdelay $0x3  }
0x8a: {  	s0 =	sadd.s32 s1, s0  }
0x8b: {  	[smem:$0x3FC7] =	sst s0  }
0x8c: {  	_ = 	snop  }
0x8d: {  	s0 =	sld [smem:$0x3FC9]  }
0x8e: {  	s17 =	sld [smem:$0x3FD0];
	(tm) =	ssettm $0x1  }
0x8f: {  	s2 =	sld [smem:$0x3FFB];
	_ =	sdelay $0x3  }
0x90: {  	_ =	strace s2  }
0x91: {  	s2 =	sld [smem:$0x3FFC];
	_ =	sdelay $0x3  }
0x92: {  	_ =	strace s2  }
0x93: {  	s2 =	sld [smem:$0x3FFD];
	_ =	sdelay $0x3  }
0x94: {  	_ =	strace s2  }
0x95: {  	_ =	strace $0x8FFFFFFF  }
0x96: {  	s18 =	sld [smem:$0x3FDB];
	_ =	sdelay $0x1  }
0x97: {  	s3 =	simm.s32 $_scs_section_size  }
0x98: {  	s4 =	simm.s32 $_size__tile_overlayer_lowered;
	s5 =	simm.s32 $_tile_overlayer_lowered  }
0x99: {  	s21 =	simm.s32 $0x1BFF;
	s20 =	sshll.u32 s5, $0x1;
	s2 =	sadd.s32 s3, s18  }
0x9a: {  	s6 =	simm.s32 $0x0;
	s19 =	sshll.u32 s4, $0x1;
	s4 =	sadd.s32 s20, s2  }
0x9b: {  	[timem:s6], [sflag:s21] =	dma.local [hbm:s4], s19  }
0x9c: {  	_ =	swait.ge [sflag:s21], s19  }
0x9d: {  	s3 =	ssub.s32 $0x0, s19;
	[sflag:s21] =	ssyncset.done $0x0  }
0x9e: {  	[sflag:s21] =	ssyncadd.s32 s3;
	_ =	sdelay $0x1  }
0x9f: {  	s22 =	simm.s32 $0x1B8B  }
0xa0: {  	_ =	swait.ge [sflag:s22], $0x1  }
0xa1: {  	[sflag:s22] =	ssyncset.done $0x0  }
0xa2: {  	s23 =	simm.s32 $0x1B8E;
	[sflag:s22] =	ssyncadd.s32 $0xFFFFFFFF  }
0xa3: {  	s24 =	simm.s32 $execute0_lowered;
	[smem:$0x3FD2] =	sst s23  }
0xa4: {  	s3 =	sshll.u32 s24, $0x1;
	_ =	strace $0x80000046;
	[dreg:$0x1] =	wrdreg $0xFFFFFFFF  }
0xa5: {  	s25 =	simm.s32 $_size_execute0_lowered;
	s2 =	sadd.s32 s2, s3;
	[dreg:$0x0] =	wrdreg $0x0  }
0xa6: {  	s3 =	sshll.u32 s25, $0x1;
	[dreg:$0x2] =	wrdreg s2  }
0xa7: {  	[dreg:$0x3] =	wrdreg s3  }
0xa8: {  	[dreg:$0x4] =	wrdreg $0xC0  }
0xa9: {  	_ =	task [dreg:s6], $0x5FFFF  }
0xaa: {  	[dreg:$0x1] =	wrdreg $0xFFFFFFFF  }
0xab: {  	[dreg:$0x0] =	wrdreg $0x60  }
0xac: {  	[dreg:$0x2] =	wrdreg s0  }
0xad: {  	[dreg:$0x3] =	wrdreg s17  }
0xae: {  	[dreg:$0x4] =	wrdreg $0x0  }
0xaf: {  	[dreg:$0x5] =	wrdreg $0x40000  }
0xb0: {  	[dreg:$0x6] =	wrdreg $0x9  }
0xb1: {  	_ =	task.clear_ibuf [dreg:s6], $0x7FFFF;
	_ =	strace $0x90000046  }
0xb2: {  	s26 =	simm.s32 $0x9;
	_ =	strace $0x80000048  }
0xb3: {  	_ =	swait.ge [sflag:s26], $0x1  }
0xb4: {  	[sflag:s26] =	ssyncadd.s32 $0xFFFFFFFF  }
0xb5: {  	_ =	strace $0x90000048  }
0xb6: {  	_ =	sfence  }
0xb7: {  	s28 =	sld [smem:$0x0];
	_ =	sdelay $0x1  }
0xb8: {  	s29 =	srdreg.scid  }
0xb9: {  	s30 =	sshll.u32 s29, $0xD;
	s31 =	sshrl.u32 s29, $0x2  }
0xba: {  	s1 =	sand.u32 $0x1, s29;
	s2 =	sand.u32 $0x4000, s30;
	s0 =	sadd.s32 s31, s28  }
0xbb: {  	s1 =	sor.u32 s2, s1;
	s0 =	sshll.u32 s0, $0x11  }
0xbc: {  	s0 =	sor.u32 s0, s1  }
0xbd: {  	s0 =	sadd.s32 $0x8F2B, s0  }
0xbe: {  	[sflag:s0] =	ssyncadd.remote.s32 $0x1  }
0xbf: {  	_ =	sfence.sel $0xFFFF  }
0xc0: {  	[dreg:$0x0] =	wrdreg $0xFFFFFFFF;
	(pc) =	sbr.abs _section_cstart, $3  }
0xc1: {  	[dreg:$0x1] =	wrdreg $0xFFFFFFFF  }
0xc2: {  	_ =	task.clear_ibuf [dreg:s6], $0x2FFFF;
	_ =	strace $0x9FFFFFFF  }
0xc3: {  	(tm) =	ssettm $0x7FFFFFFF  }
tec
execute0_lowered:
.L_overlay_start_1:
0x0: {  	(tag) =	ssettag $0x1  }
0x1: {  	s5 =	stileid.u32  }
0x2: {  	s3 =	rddreg [dreg:$0x0];
	p0 =	sne.s32 s5, $0x0  }
.Ltmp0:
0x3: {  	s1 =	rddreg [dreg:$0x1];
	(pc) =	sbr.rel @p0 .LBB2_4-.Ltmp0, $4  }
0x4: {  	s2 =	rddreg [dreg:$0x2]  }
0x5: {  	s6 =	rddreg [dreg:$0x3];
	s4 =	simm.s32 $0x0  }
0x6: {  	[smem:$0x7FF] =	sst s4  }
0x7: {  	s0 =	rddreg [dreg:$0x4];
	_ =	strace $0x80000047  }
0x8: {  	s5 =	simm.s32 $0x1C01;
	s7 =	sshrl.u32 s2, $0x3;
	s8 =	simm.s32 $0x1  }
0x9: {  	[spmem:s7], [sflag:s5] =	dma.local [hbm:s3], $0x8000  }
0xa: {  	s4 =	simm.s32 $0x1C02;
	_ =	swait.ge [sflag:s8], $0x8000  }
0xb: {  	s6 =	sshrl.u32 s6, $0x3;
	s11 =	sadd.s32 $0xFFF50000, s3;
	[sflag:s8] =	ssyncset.done $0x0  }
0xc: {  	s9 =	simm.s32 $0x2;
	s10 =	sadd.s32 $0xB8000, s11;
	[sflag:s8] =	ssyncadd.s32 $0xFFFF8000  }
0xd: {  	[spmem:s6], [sflag:s4] =	dma.local [hbm:s10], $0x8000  }
0xe: {  	_ =	swait.ge [sflag:s9], $0x8000  }
0xf: {  	[sflag:s9] =	ssyncset.done $0x0  }
0x10: {  	s11 =	sadd.s32 $0xC0000, s11;
	s10 =	simm.s32 $0xFFF60000;
	[sflag:s9] =	ssyncadd.s32 $0xFFFF8000  }
.LBB2_2:
0x11: {  	[spmem:s7], [sflag:s5] =	dma.local [hbm:s11], $0x8000  }
0x12: {  	s11 =	smov.u32 s10  }
0x13: {  	p1 =	sne.s32 s10, $0xFFFF0000;
	s10 =	sadd.s32 $0x10000, s10;
	_ =	swait.ge [sflag:s8], $0x8000  }
0x14: {  	s11 =	sadd.s32 s11, s3;
	[sflag:s8] =	ssyncset.done $0x0  }
.Ltmp1:
0x15: {  	s12 =	sadd.s32 $0xB8000, s11;
	[sflag:s8] =	ssyncadd.s32 $0xFFFF8000;
	(pc) =	sbr.rel @p1 .LBB2_2-.Ltmp1, $4  }
0x16: {  	[spmem:s6], [sflag:s4] =	dma.local [hbm:s12], $0x8000  }
0x17: {  	_ =	swait.ge [sflag:s9], $0x8000  }
0x18: {  	[sflag:s9] =	ssyncset.done $0x0  }
0x19: {  	s11 =	sadd.s32 $0xC0000, s11;
	[sflag:s9] =	ssyncadd.s32 $0xFFFF8000  }
0x1a: {  	[spmem:s7], [sflag:s5] =	dma.local [hbm:s11], $0x8000  }
0x1b: {  	s30 =	simm.s32 $0x1  }
0x1c: {  	_ =	swait.ge [sflag:s30], $0x8000  }
0x1d: {  	[sflag:s30] =	ssyncset.done $0x0  }
0x1e: {  	s3 =	sadd.s32 $0xB8000, s3;
	s31 =	simm.s32 $0x2;
	[sflag:s30] =	ssyncadd.s32 $0xFFFF8000  }
0x1f: {  	[spmem:s6], [sflag:s4] =	dma.local [hbm:s3], $0x8000  }
0x20: {  	_ =	swait.ge [sflag:s31], $0x8000  }
0x21: {  	[sflag:s31] =	ssyncset.done $0x0  }
0x22: {  	[sflag:s31] =	ssyncadd.s32 $0xFFFF8000  }
.LBB2_4:
0x23: {  	s3 =	simm.s32 $0x80  }
0x24: {  	s4 =	simm.s32 $0x400;
	s5 =	simm.s32 $0x8000;
	s31 =	simm.s32 $0x3  }
0x25: {  	[tilespmem:s5], [sflag:$0x3] =	stream.strided.gather [spmem:s2], $0x200, s4, s3, $0x38;
	[tilespmem:$0x8200] =	vst v63  }
0x26: {  	_ =	swait.ge [sflag:s31], $0x200  }
0x27: {  	[sflag:s31] =	ssyncset.done $0x0  }
0x28: {  	[sflag:s31] =	ssyncadd.s32 $0xFFFFFE00  }
0x29: {  	[hbm4b:s1+s3] =	stream.strided.scatter [tilespmem:s5], [sflag:$0x3], $0x200, s4, s3, $0x38;
	[tilespmem:$0x8200] =	vst v63  }
0x2a: {  	_ =	swait.ge [sflag:s31], $0x200  }
0x2b: {  	[sflag:s31] =	ssyncset.done $0x0  }
0x2c: {  	[sflag:s31] =	ssyncadd.s32 $0xFFFFFE00  }
0x2d: {  	_ =	sfence.sel $0x180000  }
0x2e: {  	[bflag:$0x0] =	sbarrier.arrive $0xFFFF  }
0x2f: {  	_ =	strace $0x90000047  }
0x30: {  	s0 =	sadd.s32 @!p0 $0x100000, s0;
	[bflag:$0x2] =	sbarrier.arrive $0xFFFF  }
0x31: {  	[sflag:s0] =	ssyncadd.tile.s32 @!p0 $0x1;
	_ =	shalt  }
.Lfunc_end2:
_tile_overlayer_lowered:
.L_overlay_start_2:
0x32: {  	(tag) =	ssettag $0x2  }
0x33: {  	s0 =	rddreg [dreg:$0x0];
	s2 =	stileid.u32  }
0x34: {  	s1 =	rddreg [dreg:$0x1];
	p0 =	sne.s32 s2, $0x0  }
0x35: {  	s3 =	rddreg [dreg:$0x2];
	[bflag:$0x3] =	sbarrier.arrive $0xFFFF;
	s2 =	simm.s32 @!p0 $0x1C03  }
0x36: {  	[timem:s3], [sflag:s2] =	dma.local @!p0 [hbm:s0], s1  }
0x37: {  	s0 =	simm.s32 @!p0 $0x3  }
0x38: {  	_ =	swait.ge @!p0 [sflag:s0], s1  }
0x39: {  	s1 =	ssub.s32 @!p0 $0x0, s1;
	[sflag:s0] =	ssyncset.done @!p0 $0x0  }
0x3a: {  	[sflag:s0] =	ssyncadd.s32 @!p0 s1  }
0x3b: {  	[bflag:$0x3] =	sbarrier.arrive $0xFFFF  }
0x3c: {  	_ =	shalt  }

</sc_bundles>
